<compile_context>
chip_gen: v7x
topology: tpu7x:2x2x1
jax: 0.10.2.dev20260603
libtpu: 0.0.44.dev20260713+nightly
codegen_flags: <defaults>
</compile_context>

<pallas_src>
import jax
import jax.numpy as jnp
from jax import lax
from jax.experimental import pallas as pl
from jax.experimental.pallas import tpu as pltpu
from jax.experimental.pallas import tpu_sc as plsc

ROWS = 8192
COLS = 2048
R_TC = 5120
R_SC = ROWS - R_TC
BR = 1024
NB = R_TC // BR
NW = 32
RPW = R_SC // NW
CR = 16
NCH = RPW // CR


def _tc_body(pos_ref, img_ref, out_ref):
    pos = pos_ref[0, 0, :]
    cols = lax.broadcasted_iota(jnp.int32, (BR, COLS), 1)
    out_ref[:, :] = jnp.where(cols < pos[:, None], img_ref[:, :], 0.0)


def _sc_body(img_hbm, pos_hbm, out_hbm, buf, sem0, sem1, osem0, osem1):
    wid = lax.axis_index("s") * 2 + lax.axis_index("c")
    wrow = R_TC + wid * RPW
    orow = wid * RPW

    def start_in(c, b, sem):
        pltpu.make_async_copy(
            img_hbm.at[pl.ds(wrow + c * CR, CR)], buf.at[b], sem).start()

    def wait_in(b, sem):
        pltpu.make_async_copy(
            img_hbm.at[pl.ds(wrow, CR)], buf.at[b], sem).wait()

    def start_out(c, b, sem):
        pltpu.make_async_copy(
            buf.at[b], out_hbm.at[pl.ds(orow + c * CR, CR)], sem).start()

    def wait_out(b, sem):
        pltpu.make_async_copy(
            buf.at[b], out_hbm.at[pl.ds(orow, CR)], sem).wait()

    start_in(0, 0, sem0)
    start_in(1, 1, sem1)

    def step(c, b, sem, osem):
        wait_in(b, sem)
        start_out(c, b, osem)

        @pl.when(c + 2 < NCH)
        def _():
            wait_out(b, osem)
            start_in(c + 2, b, sem)

    def body(c, acc):
        @pl.when(c % 2 == 0)
        def _():
            step(c, 0, sem0, osem0)

        @pl.when(c % 2 == 1)
        def _():
            step(c, 1, sem1, osem1)

        return acc

    lax.fori_loop(0, NCH, body, 0)
    wait_out(0, osem0)
    wait_out(1, osem1)


@jax.jit
def _probe(images, position):
    mesh = plsc.VectorSubcoreMesh(core_axis_name="c", subcore_axis_name="s")
    sc = pl.kernel(
        _sc_body,
        out_type=jax.ShapeDtypeStruct((R_SC, COLS), jnp.float32),
        mesh=mesh,
        compiler_params=pltpu.CompilerParams(needs_layout_passes=False),
        scratch_types=[
            pltpu.VMEM((2, CR, COLS), jnp.float32),
            pltpu.SemaphoreType.DMA,
            pltpu.SemaphoreType.DMA,
            pltpu.SemaphoreType.DMA,
            pltpu.SemaphoreType.DMA,
        ],
    )
    sc_out = sc(images, position)

    pos3 = position[:R_TC].reshape(NB, 1, BR)
    tc_out = pl.pallas_call(
        _tc_body,
        grid=(NB,),
        in_specs=[
            pl.BlockSpec((1, 1, BR), lambda i: (i, 0, 0)),
            pl.BlockSpec((BR, COLS), lambda i: (i, 0)),
        ],
        out_specs=pl.BlockSpec((BR, COLS), lambda i: (i, 0)),
        out_shape=jax.ShapeDtypeStruct((R_TC, COLS), jnp.float32),
        compiler_params=pltpu.CompilerParams(
            dimension_semantics=("parallel",),
        ),
    )(pos3, images)
    return tc_out, sc_out


def kernel(images, position):
    return _probe(images, position)

# --- scband reference (transcript-rebuilt; emitter-appended) ---
"""Pipeline reference for scband-control-flow-scan-decomposition-151564-46308337386065 (READ-ONLY COPY).

The authoritative reference and input builder live on the scoring server;
editing this copy changes nothing except your own understanding.
"""

import jax, jax.numpy as jnp
import numpy as np

ROWS = 8192
COLS = 2048

def setup_inputs(seed: int = 0) -> dict:
    key = jax.random.key(seed)
    k1, k2 = jax.random.split(key)
    images = jax.random.normal(k1, (ROWS, COLS), dtype=jnp.float32)
    # per-row valid length in [0, 2047); int32 used since jax x64 is disabled by default,
    # values are well within int32 range and semantics are identical to int64 indices
    position = jax.random.randint(k2, (ROWS,), 0, 2047, dtype=jnp.int32)
    return {"images": images, "position": position}

def reference(images, position):
    # Faithful translation of dummy_loop:
    #   copy = zeros_like(images); copy[i, :pos[i]] = images[i, :pos[i]]
    # which is exactly a per-row length mask (ragged copy into padded buffer).
    L = images.shape[1]
    col_ids = jnp.arange(L, dtype=position.dtype)[None, :]      # [1, L]
    mask = col_ids < position[:, None]                            # [rows, L]
    copy = jnp.where(mask, images, jnp.zeros_like(images))
    return copy

if __name__ == "__main__":
    import jax
    _d = setup_inputs()
    print(jax.jit(kernel)(*tuple(_d.values())))

</pallas_src>

<mosaic_0001>
#map = affine_map<(d0, d1) -> (0, 0)>
#map1 = affine_map<(d0, d1) -> (0)>
module attributes {stable_mosaic.version = 14 : i64} {
  func.func @_sc_body(%arg0: i32, %arg1: i32, %arg2: memref<8192x2048xf32, #tpu.memory_space<hbm>>, %arg3: memref<8192xi32, #tpu.memory_space<hbm>>, %arg4: memref<3072x2048xf32, #tpu.memory_space<hbm>>, %arg5: memref<2x16x2048xf32, #tpu.memory_space<vmem>>, %arg6: memref<!tpu.dma_semaphore, #tpu.memory_space<semaphore_mem>>, %arg7: memref<!tpu.dma_semaphore, #tpu.memory_space<semaphore_mem>>, %arg8: memref<!tpu.dma_semaphore, #tpu.memory_space<semaphore_mem>>, %arg9: memref<!tpu.dma_semaphore, #tpu.memory_space<semaphore_mem>>) attributes {dimension_semantics = [#tpu.dimension_semantics<core_parallel>, #tpu.dimension_semantics<subcore_parallel>], iteration_bounds = array<i64: 2, 16>, scalar_prefetch = 0 : i64, scratch_operands = 5 : i64, tpu.core_type = #tpu.core_type<sc_vector_subcore>, window_params = [{transform_indices = #map}, {transform_indices = #map1}, {transform_indices = #map}]} {
    %mul3A = arith.constant 2 : i32
    %mul3A_0 = arith.muli %arg1, %mul3A : i32
    %add3A = arith.addi %mul3A_0, %arg0 : i32
    %mul3A_1 = arith.constant 96 : i32
    %mul3A_2 = arith.muli %add3A, %mul3A_1 : i32
    %add3A_3 = arith.constant 5120 : i32
    %add3A_4 = arith.addi %add3A_3, %mul3A_2 : i32
    %mul3A_5 = arith.constant 96 : i32
    %mul3A_6 = arith.muli %add3A, %mul3A_5 : i32
    %add3A_7 = arith.constant 0 : i32
    %add3A_8 = arith.addi %add3A_4, %add3A_7 : i32
    %dma_start3A = arith.constant 0 : i32
    %dma_start3A_9 = arith.constant 0 : i32
    %dma_start3A_10 = arith.constant 0 : i32
    %dma_start3A_11 = tpu.memref_slice %arg5[%dma_start3A, %dma_start3A_9, %dma_start3A_10] : memref<2x16x2048xf32, #tpu.memory_space<vmem>> -> memref<1x16x2048xf32, #tpu.memory_space<vmem>>
    %dma_start3A_12 = tpu.memref_squeeze %dma_start3A_11 : memref<1x16x2048xf32, #tpu.memory_space<vmem>> -> memref<16x2048xf32, #tpu.memory_space<vmem>>
    %dma_start3A_13 = arith.constant 0 : i32
    %dma_start3A_14 = tpu.memref_slice %arg2[%add3A_8, %dma_start3A_13] : memref<8192x2048xf32, #tpu.memory_space<hbm>> -> memref<16x2048xf32, #tpu.memory_space<hbm>>
    %dma_start3A_15 = arith.constant 0 : i32
    %dma_start3A_16 = arith.constant 0 : i32
    %dma_start3A_17 = tpu.memref_slice %arg5[%dma_start3A, %dma_start3A_15, %dma_start3A_16] : memref<2x16x2048xf32, #tpu.memory_space<vmem>> -> memref<1x16x2048xf32, #tpu.memory_space<vmem>>
    %dma_start3A_18 = tpu.memref_squeeze %dma_start3A_17 : memref<1x16x2048xf32, #tpu.memory_space<vmem>> -> memref<16x2048xf32, #tpu.memory_space<vmem>>
    %dma_start3A_19 = arith.constant 0 : i32
    %dma_start3A_20 = tpu.memref_slice %arg2[%add3A_8, %dma_start3A_19] : memref<8192x2048xf32, #tpu.memory_space<hbm>> -> memref<16x2048xf32, #tpu.memory_space<hbm>>
    tpu.enqueue_dma source(%dma_start3A_20 : memref<16x2048xf32, #tpu.memory_space<hbm>>) target(%dma_start3A_18 : memref<16x2048xf32, #tpu.memory_space<vmem>>) target_semaphore(%arg6 : memref<!tpu.dma_semaphore, #tpu.memory_space<semaphore_mem>>)
    %add3A_21 = arith.constant 16 : i32
    %add3A_22 = arith.addi %add3A_4, %add3A_21 : i32
    %dma_start3A_23 = arith.constant 1 : i32
    %dma_start3A_24 = arith.constant 0 : i32
    %dma_start3A_25 = arith.constant 0 : i32
    %dma_start3A_26 = tpu.memref_slice %arg5[%dma_start3A_23, %dma_start3A_24, %dma_start3A_25] : memref<2x16x2048xf32, #tpu.memory_space<vmem>> -> memref<1x16x2048xf32, #tpu.memory_space<vmem>>
    %dma_start3A_27 = tpu.memref_squeeze %dma_start3A_26 : memref<1x16x2048xf32, #tpu.memory_space<vmem>> -> memref<16x2048xf32, #tpu.memory_space<vmem>>
    %dma_start3A_28 = arith.constant 0 : i32
    %dma_start3A_29 = tpu.memref_slice %arg2[%add3A_22, %dma_start3A_28] : memref<8192x2048xf32, #tpu.memory_space<hbm>> -> memref<16x2048xf32, #tpu.memory_space<hbm>>
    %dma_start3A_30 = arith.constant 0 : i32
    %dma_start3A_31 = arith.constant 0 : i32
    %dma_start3A_32 = tpu.memref_slice %arg5[%dma_start3A_23, %dma_start3A_30, %dma_start3A_31] : memref<2x16x2048xf32, #tpu.memory_space<vmem>> -> memref<1x16x2048xf32, #tpu.memory_space<vmem>>
    %dma_start3A_33 = tpu.memref_squeeze %dma_start3A_32 : memref<1x16x2048xf32, #tpu.memory_space<vmem>> -> memref<16x2048xf32, #tpu.memory_space<vmem>>
    %dma_start3A_34 = arith.constant 0 : i32
    %dma_start3A_35 = tpu.memref_slice %arg2[%add3A_22, %dma_start3A_34] : memref<8192x2048xf32, #tpu.memory_space<hbm>> -> memref<16x2048xf32, #tpu.memory_space<hbm>>
    tpu.enqueue_dma source(%dma_start3A_35 : memref<16x2048xf32, #tpu.memory_space<hbm>>) target(%dma_start3A_33 : memref<16x2048xf32, #tpu.memory_space<vmem>>) target_semaphore(%arg7 : memref<!tpu.dma_semaphore, #tpu.memory_space<semaphore_mem>>)
    %scan3A = arith.constant 0 : i32
    %scan3A_36 = arith.constant 0 : i32
    %scan3A_37 = arith.constant 6 : i32
    %scan3A_38 = arith.addi %scan3A_36, %scan3A_37 : i32
    %scan3A_39 = arith.constant 1 : i32
    scf.for %scan3A_66 = %scan3A_36 to %scan3A_38 step %scan3A_39  : i32 {
      %jit3A = arith.constant 2 : i32
      %eq3A = arith.constant 0 : i32
      %eq3A_67 = arith.cmpi eq, %jit3A, %eq3A : i32
      %jit3A_68 = arith.constant 1 : i32
      %select_n3A = arith.select %eq3A_67, %jit3A_68, %jit3A : i32
      %rem3A = arith.remsi %scan3A_66, %select_n3A : i32
      %ne3A = arith.constant 0 : i32
      %ne3A_69 = arith.cmpi ne, %rem3A, %ne3A : i32
      %lt3A = arith.constant 0 : i32
      %lt3A_70 = arith.cmpi slt, %rem3A, %lt3A : i32
      %lt3A_71 = arith.constant 0 : i32
      %lt3A_72 = arith.cmpi slt, %select_n3A, %lt3A_71 : i32
      %ne3A_73 = arith.xori %lt3A_70, %lt3A_72 : i1
      %and3A = arith.andi %ne3A_73, %ne3A_69 : i1
      %add3A_74 = arith.addi %rem3A, %select_n3A : i32
      %select_n3A_75 = arith.select %and3A, %add3A_74, %rem3A : i32
      %eq3A_76 = arith.constant 0 : i32
      %eq3A_77 = arith.cmpi eq, %select_n3A_75, %eq3A_76 : i32
      %convert_element_type3A = arith.extui %eq3A_77 : i1 to i32
      %cond3A = arith.constant 0 : i32
      %cond3A_78 = arith.cmpi ne, %convert_element_type3A, %cond3A : i32
      scf.if %cond3A_78 {
        %dma_wait3A_100 = arith.constant 0 : i32
        %dma_wait3A_101 = arith.constant 0 : i32
        %dma_wait3A_102 = arith.constant 0 : i32
        %dma_wait3A_103 = tpu.memref_slice %arg5[%dma_wait3A_100, %dma_wait3A_101, %dma_wait3A_102] : memref<2x16x2048xf32, #tpu.memory_space<vmem>> -> memref<1x16x2048xf32, #tpu.memory_space<vmem>>
        %dma_wait3A_104 = tpu.memref_squeeze %dma_wait3A_103 : memref<1x16x2048xf32, #tpu.memory_space<vmem>> -> memref<16x2048xf32, #tpu.memory_space<vmem>>
        %dma_wait3A_105 = arith.constant 0 : i32
        %dma_wait3A_106 = tpu.memref_slice %arg2[%add3A_4, %dma_wait3A_105] : memref<8192x2048xf32, #tpu.memory_space<hbm>> -> memref<16x2048xf32, #tpu.memory_space<hbm>>
        %dma_wait3A_107 = arith.constant 0 : i32
        %dma_wait3A_108 = arith.constant 0 : i32
        %dma_wait3A_109 = tpu.memref_slice %arg5[%dma_wait3A_100, %dma_wait3A_107, %dma_wait3A_108] : memref<2x16x2048xf32, #tpu.memory_space<vmem>> -> memref<1x16x2048xf32, #tpu.memory_space<vmem>>
        %dma_wait3A_110 = tpu.memref_squeeze %dma_wait3A_109 : memref<1x16x2048xf32, #tpu.memory_space<vmem>> -> memref<16x2048xf32, #tpu.memory_space<vmem>>
        %dma_wait3A_111 = arith.constant 0 : i32
        %dma_wait3A_112 = tpu.memref_slice %arg2[%add3A_4, %dma_wait3A_111] : memref<8192x2048xf32, #tpu.memory_space<hbm>> -> memref<16x2048xf32, #tpu.memory_space<hbm>>
        tpu.wait_dma2 semaphore(%arg6 : memref<!tpu.dma_semaphore, #tpu.memory_space<semaphore_mem>>) src(%dma_wait3A_112 : memref<16x2048xf32, #tpu.memory_space<hbm>>) dst(%dma_wait3A_110 : memref<16x2048xf32, #tpu.memory_space<vmem>>)
        %mul3A_113 = arith.constant 16 : i32
        %mul3A_114 = arith.muli %scan3A_66, %mul3A_113 : i32
        %add3A_115 = arith.addi %mul3A_6, %mul3A_114 : i32
        %dma_start3A_116 = arith.constant 0 : i32
        %dma_start3A_117 = arith.constant 0 : i32
        %dma_start3A_118 = arith.constant 0 : i32
        %dma_start3A_119 = tpu.memref_slice %arg5[%dma_start3A_116, %dma_start3A_117, %dma_start3A_118] : memref<2x16x2048xf32, #tpu.memory_space<vmem>> -> memref<1x16x2048xf32, #tpu.memory_space<vmem>>
        %dma_start3A_120 = tpu.memref_squeeze %dma_start3A_119 : memref<1x16x2048xf32, #tpu.memory_space<vmem>> -> memref<16x2048xf32, #tpu.memory_space<vmem>>
        %dma_start3A_121 = arith.constant 0 : i32
        %dma_start3A_122 = tpu.memref_slice %arg4[%add3A_115, %dma_start3A_121] : memref<3072x2048xf32, #tpu.memory_space<hbm>> -> memref<16x2048xf32, #tpu.memory_space<hbm>>
        %dma_start3A_123 = arith.constant 0 : i32
        %dma_start3A_124 = tpu.memref_slice %arg4[%add3A_115, %dma_start3A_123] : memref<3072x2048xf32, #tpu.memory_space<hbm>> -> memref<16x2048xf32, #tpu.memory_space<hbm>>
        %dma_start3A_125 = arith.constant 0 : i32
        %dma_start3A_126 = arith.constant 0 : i32
        %dma_start3A_127 = tpu.memref_slice %arg5[%dma_start3A_116, %dma_start3A_125, %dma_start3A_126] : memref<2x16x2048xf32, #tpu.memory_space<vmem>> -> memref<1x16x2048xf32, #tpu.memory_space<vmem>>
        %dma_start3A_128 = tpu.memref_squeeze %dma_start3A_127 : memref<1x16x2048xf32, #tpu.memory_space<vmem>> -> memref<16x2048xf32, #tpu.memory_space<vmem>>
        tpu.enqueue_dma source(%dma_start3A_128 : memref<16x2048xf32, #tpu.memory_space<vmem>>) target(%dma_start3A_124 : memref<16x2048xf32, #tpu.memory_space<hbm>>) target_semaphore(%arg8 : memref<!tpu.dma_semaphore, #tpu.memory_space<semaphore_mem>>)
        %add3A_129 = arith.constant 2 : i32
        %add3A_130 = arith.addi %scan3A_66, %add3A_129 : i32
        %lt3A_131 = arith.constant 6 : i32
        %lt3A_132 = arith.cmpi slt, %add3A_130, %lt3A_131 : i32
        %convert_element_type3A_133 = arith.extui %lt3A_132 : i1 to i32
        %cond3A_134 = arith.constant 0 : i32
        %cond3A_135 = arith.cmpi ne, %convert_element_type3A_133, %cond3A_134 : i32
        scf.if %cond3A_135 {
          %dma_wait3A_136 = arith.constant 0 : i32
          %dma_wait3A_137 = arith.constant 0 : i32
          %dma_wait3A_138 = arith.constant 0 : i32
          %dma_wait3A_139 = tpu.memref_slice %arg5[%dma_wait3A_136, %dma_wait3A_137, %dma_wait3A_138] : memref<2x16x2048xf32, #tpu.memory_space<vmem>> -> memref<1x16x2048xf32, #tpu.memory_space<vmem>>
          %dma_wait3A_140 = tpu.memref_squeeze %dma_wait3A_139 : memref<1x16x2048xf32, #tpu.memory_space<vmem>> -> memref<16x2048xf32, #tpu.memory_space<vmem>>
          %dma_wait3A_141 = arith.constant 0 : i32
          %dma_wait3A_142 = tpu.memref_slice %arg4[%mul3A_6, %dma_wait3A_141] : memref<3072x2048xf32, #tpu.memory_space<hbm>> -> memref<16x2048xf32, #tpu.memory_space<hbm>>
          %dma_wait3A_143 = arith.constant 0 : i32
          %dma_wait3A_144 = tpu.memref_slice %arg4[%mul3A_6, %dma_wait3A_143] : memref<3072x2048xf32, #tpu.memory_space<hbm>> -> memref<16x2048xf32, #tpu.memory_space<hbm>>
          %dma_wait3A_145 = arith.constant 0 : i32
          %dma_wait3A_146 = arith.constant 0 : i32
          %dma_wait3A_147 = tpu.memref_slice %arg5[%dma_wait3A_136, %dma_wait3A_145, %dma_wait3A_146] : memref<2x16x2048xf32, #tpu.memory_space<vmem>> -> memref<1x16x2048xf32, #tpu.memory_space<vmem>>
          %dma_wait3A_148 = tpu.memref_squeeze %dma_wait3A_147 : memref<1x16x2048xf32, #tpu.memory_space<vmem>> -> memref<16x2048xf32, #tpu.memory_space<vmem>>
          tpu.wait_dma2 semaphore(%arg8 : memref<!tpu.dma_semaphore, #tpu.memory_space<semaphore_mem>>) src(%dma_wait3A_148 : memref<16x2048xf32, #tpu.memory_space<vmem>>) dst(%dma_wait3A_144 : memref<16x2048xf32, #tpu.memory_space<hbm>>)
          %add3A_149 = arith.constant 2 : i32
          %add3A_150 = arith.addi %scan3A_66, %add3A_149 : i32
          %mul3A_151 = arith.constant 16 : i32
          %mul3A_152 = arith.muli %add3A_150, %mul3A_151 : i32
          %add3A_153 = arith.addi %add3A_4, %mul3A_152 : i32
          %dma_start3A_154 = arith.constant 0 : i32
          %dma_start3A_155 = arith.constant 0 : i32
          %dma_start3A_156 = arith.constant 0 : i32
          %dma_start3A_157 = tpu.memref_slice %arg5[%dma_start3A_154, %dma_start3A_155, %dma_start3A_156] : memref<2x16x2048xf32, #tpu.memory_space<vmem>> -> memref<1x16x2048xf32, #tpu.memory_space<vmem>>
          %dma_start3A_158 = tpu.memref_squeeze %dma_start3A_157 : memref<1x16x2048xf32, #tpu.memory_space<vmem>> -> memref<16x2048xf32, #tpu.memory_space<vmem>>
          %dma_start3A_159 = arith.constant 0 : i32
          %dma_start3A_160 = tpu.memref_slice %arg2[%add3A_153, %dma_start3A_159] : memref<8192x2048xf32, #tpu.memory_space<hbm>> -> memref<16x2048xf32, #tpu.memory_space<hbm>>
          %dma_start3A_161 = arith.constant 0 : i32
          %dma_start3A_162 = arith.constant 0 : i32
          %dma_start3A_163 = tpu.memref_slice %arg5[%dma_start3A_154, %dma_start3A_161, %dma_start3A_162] : memref<2x16x2048xf32, #tpu.memory_space<vmem>> -> memref<1x16x2048xf32, #tpu.memory_space<vmem>>
          %dma_start3A_164 = tpu.memref_squeeze %dma_start3A_163 : memref<1x16x2048xf32, #tpu.memory_space<vmem>> -> memref<16x2048xf32, #tpu.memory_space<vmem>>
          %dma_start3A_165 = arith.constant 0 : i32
          %dma_start3A_166 = tpu.memref_slice %arg2[%add3A_153, %dma_start3A_165] : memref<8192x2048xf32, #tpu.memory_space<hbm>> -> memref<16x2048xf32, #tpu.memory_space<hbm>>
          tpu.enqueue_dma source(%dma_start3A_166 : memref<16x2048xf32, #tpu.memory_space<hbm>>) target(%dma_start3A_164 : memref<16x2048xf32, #tpu.memory_space<vmem>>) target_semaphore(%arg6 : memref<!tpu.dma_semaphore, #tpu.memory_space<semaphore_mem>>)
        } else {
        }
      } else {
      }
      %jit3A_79 = arith.constant 2 : i32
      %eq3A_80 = arith.constant 0 : i32
      %eq3A_81 = arith.cmpi eq, %jit3A_79, %eq3A_80 : i32
      %jit3A_82 = arith.constant 1 : i32
      %select_n3A_83 = arith.select %eq3A_81, %jit3A_82, %jit3A_79 : i32
      %rem3A_84 = arith.remsi %scan3A_66, %select_n3A_83 : i32
      %ne3A_85 = arith.constant 0 : i32
      %ne3A_86 = arith.cmpi ne, %rem3A_84, %ne3A_85 : i32
      %lt3A_87 = arith.constant 0 : i32
      %lt3A_88 = arith.cmpi slt, %rem3A_84, %lt3A_87 : i32
      %lt3A_89 = arith.constant 0 : i32
      %lt3A_90 = arith.cmpi slt, %select_n3A_83, %lt3A_89 : i32
      %ne3A_91 = arith.xori %lt3A_88, %lt3A_90 : i1
      %and3A_92 = arith.andi %ne3A_91, %ne3A_86 : i1
      %add3A_93 = arith.addi %rem3A_84, %select_n3A_83 : i32
      %select_n3A_94 = arith.select %and3A_92, %add3A_93, %rem3A_84 : i32
      %eq3A_95 = arith.constant 1 : i32
      %eq3A_96 = arith.cmpi eq, %select_n3A_94, %eq3A_95 : i32
      %convert_element_type3A_97 = arith.extui %eq3A_96 : i1 to i32
      %cond3A_98 = arith.constant 0 : i32
      %cond3A_99 = arith.cmpi ne, %convert_element_type3A_97, %cond3A_98 : i32
      scf.if %cond3A_99 {
        %dma_wait3A_100 = arith.constant 1 : i32
        %dma_wait3A_101 = arith.constant 0 : i32
        %dma_wait3A_102 = arith.constant 0 : i32
        %dma_wait3A_103 = tpu.memref_slice %arg5[%dma_wait3A_100, %dma_wait3A_101, %dma_wait3A_102] : memref<2x16x2048xf32, #tpu.memory_space<vmem>> -> memref<1x16x2048xf32, #tpu.memory_space<vmem>>
        %dma_wait3A_104 = tpu.memref_squeeze %dma_wait3A_103 : memref<1x16x2048xf32, #tpu.memory_space<vmem>> -> memref<16x2048xf32, #tpu.memory_space<vmem>>
        %dma_wait3A_105 = arith.constant 0 : i32
        %dma_wait3A_106 = tpu.memref_slice %arg2[%add3A_4, %dma_wait3A_105] : memref<8192x2048xf32, #tpu.memory_space<hbm>> -> memref<16x2048xf32, #tpu.memory_space<hbm>>
        %dma_wait3A_107 = arith.constant 0 : i32
        %dma_wait3A_108 = arith.constant 0 : i32
        %dma_wait3A_109 = tpu.memref_slice %arg5[%dma_wait3A_100, %dma_wait3A_107, %dma_wait3A_108] : memref<2x16x2048xf32, #tpu.memory_space<vmem>> -> memref<1x16x2048xf32, #tpu.memory_space<vmem>>
        %dma_wait3A_110 = tpu.memref_squeeze %dma_wait3A_109 : memref<1x16x2048xf32, #tpu.memory_space<vmem>> -> memref<16x2048xf32, #tpu.memory_space<vmem>>
        %dma_wait3A_111 = arith.constant 0 : i32
        %dma_wait3A_112 = tpu.memref_slice %arg2[%add3A_4, %dma_wait3A_111] : memref<8192x2048xf32, #tpu.memory_space<hbm>> -> memref<16x2048xf32, #tpu.memory_space<hbm>>
        tpu.wait_dma2 semaphore(%arg7 : memref<!tpu.dma_semaphore, #tpu.memory_space<semaphore_mem>>) src(%dma_wait3A_112 : memref<16x2048xf32, #tpu.memory_space<hbm>>) dst(%dma_wait3A_110 : memref<16x2048xf32, #tpu.memory_space<vmem>>)
        %mul3A_113 = arith.constant 16 : i32
        %mul3A_114 = arith.muli %scan3A_66, %mul3A_113 : i32
        %add3A_115 = arith.addi %mul3A_6, %mul3A_114 : i32
        %dma_start3A_116 = arith.constant 1 : i32
        %dma_start3A_117 = arith.constant 0 : i32
        %dma_start3A_118 = arith.constant 0 : i32
        %dma_start3A_119 = tpu.memref_slice %arg5[%dma_start3A_116, %dma_start3A_117, %dma_start3A_118] : memref<2x16x2048xf32, #tpu.memory_space<vmem>> -> memref<1x16x2048xf32, #tpu.memory_space<vmem>>
        %dma_start3A_120 = tpu.memref_squeeze %dma_start3A_119 : memref<1x16x2048xf32, #tpu.memory_space<vmem>> -> memref<16x2048xf32, #tpu.memory_space<vmem>>
        %dma_start3A_121 = arith.constant 0 : i32
        %dma_start3A_122 = tpu.memref_slice %arg4[%add3A_115, %dma_start3A_121] : memref<3072x2048xf32, #tpu.memory_space<hbm>> -> memref<16x2048xf32, #tpu.memory_space<hbm>>
        %dma_start3A_123 = arith.constant 0 : i32
        %dma_start3A_124 = tpu.memref_slice %arg4[%add3A_115, %dma_start3A_123] : memref<3072x2048xf32, #tpu.memory_space<hbm>> -> memref<16x2048xf32, #tpu.memory_space<hbm>>
        %dma_start3A_125 = arith.constant 0 : i32
        %dma_start3A_126 = arith.constant 0 : i32
        %dma_start3A_127 = tpu.memref_slice %arg5[%dma_start3A_116, %dma_start3A_125, %dma_start3A_126] : memref<2x16x2048xf32, #tpu.memory_space<vmem>> -> memref<1x16x2048xf32, #tpu.memory_space<vmem>>
        %dma_start3A_128 = tpu.memref_squeeze %dma_start3A_127 : memref<1x16x2048xf32, #tpu.memory_space<vmem>> -> memref<16x2048xf32, #tpu.memory_space<vmem>>
        tpu.enqueue_dma source(%dma_start3A_128 : memref<16x2048xf32, #tpu.memory_space<vmem>>) target(%dma_start3A_124 : memref<16x2048xf32, #tpu.memory_space<hbm>>) target_semaphore(%arg9 : memref<!tpu.dma_semaphore, #tpu.memory_space<semaphore_mem>>)
        %add3A_129 = arith.constant 2 : i32
        %add3A_130 = arith.addi %scan3A_66, %add3A_129 : i32
        %lt3A_131 = arith.constant 6 : i32
        %lt3A_132 = arith.cmpi slt, %add3A_130, %lt3A_131 : i32
        %convert_element_type3A_133 = arith.extui %lt3A_132 : i1 to i32
        %cond3A_134 = arith.constant 0 : i32
        %cond3A_135 = arith.cmpi ne, %convert_element_type3A_133, %cond3A_134 : i32
        scf.if %cond3A_135 {
          %dma_wait3A_136 = arith.constant 1 : i32
          %dma_wait3A_137 = arith.constant 0 : i32
          %dma_wait3A_138 = arith.constant 0 : i32
          %dma_wait3A_139 = tpu.memref_slice %arg5[%dma_wait3A_136, %dma_wait3A_137, %dma_wait3A_138] : memref<2x16x2048xf32, #tpu.memory_space<vmem>> -> memref<1x16x2048xf32, #tpu.memory_space<vmem>>
          %dma_wait3A_140 = tpu.memref_squeeze %dma_wait3A_139 : memref<1x16x2048xf32, #tpu.memory_space<vmem>> -> memref<16x2048xf32, #tpu.memory_space<vmem>>
          %dma_wait3A_141 = arith.constant 0 : i32
          %dma_wait3A_142 = tpu.memref_slice %arg4[%mul3A_6, %dma_wait3A_141] : memref<3072x2048xf32, #tpu.memory_space<hbm>> -> memref<16x2048xf32, #tpu.memory_space<hbm>>
          %dma_wait3A_143 = arith.constant 0 : i32
          %dma_wait3A_144 = tpu.memref_slice %arg4[%mul3A_6, %dma_wait3A_143] : memref<3072x2048xf32, #tpu.memory_space<hbm>> -> memref<16x2048xf32, #tpu.memory_space<hbm>>
          %dma_wait3A_145 = arith.constant 0 : i32
          %dma_wait3A_146 = arith.constant 0 : i32
          %dma_wait3A_147 = tpu.memref_slice %arg5[%dma_wait3A_136, %dma_wait3A_145, %dma_wait3A_146] : memref<2x16x2048xf32, #tpu.memory_space<vmem>> -> memref<1x16x2048xf32, #tpu.memory_space<vmem>>
          %dma_wait3A_148 = tpu.memref_squeeze %dma_wait3A_147 : memref<1x16x2048xf32, #tpu.memory_space<vmem>> -> memref<16x2048xf32, #tpu.memory_space<vmem>>
          tpu.wait_dma2 semaphore(%arg9 : memref<!tpu.dma_semaphore, #tpu.memory_space<semaphore_mem>>) src(%dma_wait3A_148 : memref<16x2048xf32, #tpu.memory_space<vmem>>) dst(%dma_wait3A_144 : memref<16x2048xf32, #tpu.memory_space<hbm>>)
          %add3A_149 = arith.constant 2 : i32
          %add3A_150 = arith.addi %scan3A_66, %add3A_149 : i32
          %mul3A_151 = arith.constant 16 : i32
          %mul3A_152 = arith.muli %add3A_150, %mul3A_151 : i32
          %add3A_153 = arith.addi %add3A_4, %mul3A_152 : i32
          %dma_start3A_154 = arith.constant 1 : i32
          %dma_start3A_155 = arith.constant 0 : i32
          %dma_start3A_156 = arith.constant 0 : i32
          %dma_start3A_157 = tpu.memref_slice %arg5[%dma_start3A_154, %dma_start3A_155, %dma_start3A_156] : memref<2x16x2048xf32, #tpu.memory_space<vmem>> -> memref<1x16x2048xf32, #tpu.memory_space<vmem>>
          %dma_start3A_158 = tpu.memref_squeeze %dma_start3A_157 : memref<1x16x2048xf32, #tpu.memory_space<vmem>> -> memref<16x2048xf32, #tpu.memory_space<vmem>>
          %dma_start3A_159 = arith.constant 0 : i32
          %dma_start3A_160 = tpu.memref_slice %arg2[%add3A_153, %dma_start3A_159] : memref<8192x2048xf32, #tpu.memory_space<hbm>> -> memref<16x2048xf32, #tpu.memory_space<hbm>>
          %dma_start3A_161 = arith.constant 0 : i32
          %dma_start3A_162 = arith.constant 0 : i32
          %dma_start3A_163 = tpu.memref_slice %arg5[%dma_start3A_154, %dma_start3A_161, %dma_start3A_162] : memref<2x16x2048xf32, #tpu.memory_space<vmem>> -> memref<1x16x2048xf32, #tpu.memory_space<vmem>>
          %dma_start3A_164 = tpu.memref_squeeze %dma_start3A_163 : memref<1x16x2048xf32, #tpu.memory_space<vmem>> -> memref<16x2048xf32, #tpu.memory_space<vmem>>
          %dma_start3A_165 = arith.constant 0 : i32
          %dma_start3A_166 = tpu.memref_slice %arg2[%add3A_153, %dma_start3A_165] : memref<8192x2048xf32, #tpu.memory_space<hbm>> -> memref<16x2048xf32, #tpu.memory_space<hbm>>
          tpu.enqueue_dma source(%dma_start3A_166 : memref<16x2048xf32, #tpu.memory_space<hbm>>) target(%dma_start3A_164 : memref<16x2048xf32, #tpu.memory_space<vmem>>) target_semaphore(%arg7 : memref<!tpu.dma_semaphore, #tpu.memory_space<semaphore_mem>>)
        } else {
        }
      } else {
      }
    }
    %scan3A_40 = arith.constant 6 : i32
    %dma_wait3A = arith.constant 0 : i32
    %dma_wait3A_41 = arith.constant 0 : i32
    %dma_wait3A_42 = arith.constant 0 : i32
    %dma_wait3A_43 = tpu.memref_slice %arg5[%dma_wait3A, %dma_wait3A_41, %dma_wait3A_42] : memref<2x16x2048xf32, #tpu.memory_space<vmem>> -> memref<1x16x2048xf32, #tpu.memory_space<vmem>>
    %dma_wait3A_44 = tpu.memref_squeeze %dma_wait3A_43 : memref<1x16x2048xf32, #tpu.memory_space<vmem>> -> memref<16x2048xf32, #tpu.memory_space<vmem>>
    %dma_wait3A_45 = arith.constant 0 : i32
    %dma_wait3A_46 = tpu.memref_slice %arg4[%mul3A_6, %dma_wait3A_45] : memref<3072x2048xf32, #tpu.memory_space<hbm>> -> memref<16x2048xf32, #tpu.memory_space<hbm>>
    %dma_wait3A_47 = arith.constant 0 : i32
    %dma_wait3A_48 = tpu.memref_slice %arg4[%mul3A_6, %dma_wait3A_47] : memref<3072x2048xf32, #tpu.memory_space<hbm>> -> memref<16x2048xf32, #tpu.memory_space<hbm>>
    %dma_wait3A_49 = arith.constant 0 : i32
    %dma_wait3A_50 = arith.constant 0 : i32
    %dma_wait3A_51 = tpu.memref_slice %arg5[%dma_wait3A, %dma_wait3A_49, %dma_wait3A_50] : memref<2x16x2048xf32, #tpu.memory_space<vmem>> -> memref<1x16x2048xf32, #tpu.memory_space<vmem>>
    %dma_wait3A_52 = tpu.memref_squeeze %dma_wait3A_51 : memref<1x16x2048xf32, #tpu.memory_space<vmem>> -> memref<16x2048xf32, #tpu.memory_space<vmem>>
    tpu.wait_dma2 semaphore(%arg8 : memref<!tpu.dma_semaphore, #tpu.memory_space<semaphore_mem>>) src(%dma_wait3A_52 : memref<16x2048xf32, #tpu.memory_space<vmem>>) dst(%dma_wait3A_48 : memref<16x2048xf32, #tpu.memory_space<hbm>>)
    %dma_wait3A_53 = arith.constant 1 : i32
    %dma_wait3A_54 = arith.constant 0 : i32
    %dma_wait3A_55 = arith.constant 0 : i32
    %dma_wait3A_56 = tpu.memref_slice %arg5[%dma_wait3A_53, %dma_wait3A_54, %dma_wait3A_55] : memref<2x16x2048xf32, #tpu.memory_space<vmem>> -> memref<1x16x2048xf32, #tpu.memory_space<vmem>>
    %dma_wait3A_57 = tpu.memref_squeeze %dma_wait3A_56 : memref<1x16x2048xf32, #tpu.memory_space<vmem>> -> memref<16x2048xf32, #tpu.memory_space<vmem>>
    %dma_wait3A_58 = arith.constant 0 : i32
    %dma_wait3A_59 = tpu.memref_slice %arg4[%mul3A_6, %dma_wait3A_58] : memref<3072x2048xf32, #tpu.memory_space<hbm>> -> memref<16x2048xf32, #tpu.memory_space<hbm>>
    %dma_wait3A_60 = arith.constant 0 : i32
    %dma_wait3A_61 = tpu.memref_slice %arg4[%mul3A_6, %dma_wait3A_60] : memref<3072x2048xf32, #tpu.memory_space<hbm>> -> memref<16x2048xf32, #tpu.memory_space<hbm>>
    %dma_wait3A_62 = arith.constant 0 : i32
    %dma_wait3A_63 = arith.constant 0 : i32
    %dma_wait3A_64 = tpu.memref_slice %arg5[%dma_wait3A_53, %dma_wait3A_62, %dma_wait3A_63] : memref<2x16x2048xf32, #tpu.memory_space<vmem>> -> memref<1x16x2048xf32, #tpu.memory_space<vmem>>
    %dma_wait3A_65 = tpu.memref_squeeze %dma_wait3A_64 : memref<1x16x2048xf32, #tpu.memory_space<vmem>> -> memref<16x2048xf32, #tpu.memory_space<vmem>>
    tpu.wait_dma2 semaphore(%arg9 : memref<!tpu.dma_semaphore, #tpu.memory_space<semaphore_mem>>) src(%dma_wait3A_65 : memref<16x2048xf32, #tpu.memory_space<vmem>>) dst(%dma_wait3A_61 : memref<16x2048xf32, #tpu.memory_space<hbm>>)
    return
  }
}

module attributes {stable_mosaic.version = 14 : i64} {
  func.func @_tc_body(%arg0: i32, %arg1: memref<1x1x1024xi32, #tpu.memory_space<vmem>>, %arg2: memref<1024x2048xf32, #tpu.memory_space<vmem>>, %arg3: memref<1024x2048xf32, #tpu.memory_space<vmem>>) attributes {dimension_semantics = [#tpu.dimension_semantics<parallel>], iteration_bounds = array<i64: 5>, scalar_prefetch = 0 : i64, scratch_operands = 0 : i64, tpu.core_type = #tpu.core_type<tc>, window_params = [{transform_indices = @transform_0, window_bounds = array<i64: 1, 1, 1024>}, {transform_indices = @transform_1, window_bounds = array<i64: 1024, 2048>}, {transform_indices = @transform_2, window_bounds = array<i64: 1024, 2048>}]} {
    %get3A = arith.constant 0 : index
    %get3A_0 = arith.constant 0 : index
    %get3A_1 = arith.constant 0 : index
    %get3A_2 = vector.load %arg1[%get3A, %get3A_0, %get3A_1] : memref<1x1x1024xi32, #tpu.memory_space<vmem>>, vector<1x1x1024xi32>
    %get3A_3 = vector.shape_cast %get3A_2 : vector<1x1x1024xi32> to vector<1024xi32>
    %iota3A = tpu.iota {dimensions = array<i32: 1>} : vector<1024x2048xi32>
    %broadcast_in_dim3A = vector.shape_cast %get3A_3 : vector<1024xi32> to vector<1024x1xi32>
    %lt3A = vector.broadcast %broadcast_in_dim3A : vector<1024x1xi32> to vector<1024x2048xi32>
    %lt3A_4 = arith.cmpi slt, %iota3A, %lt3A : vector<1024x2048xi32>
    %get3A_5 = arith.constant 0 : index
    %get3A_6 = arith.constant 0 : index
    %get3A_7 = vector.load %arg2[%get3A_5, %get3A_6] : memref<1024x2048xf32, #tpu.memory_space<vmem>>, vector<1024x2048xf32>
    %jit3A = arith.constant 0.000000e+00 : f32
    %broadcast_in_dim3A_8 = vector.broadcast %jit3A : f32 to vector<1024x2048xf32>
    %select_n3A = arith.select %lt3A_4, %get3A_7, %broadcast_in_dim3A_8 : vector<1024x2048xi1>, vector<1024x2048xf32>
    %swap3A = arith.constant 0 : index
    %swap3A_9 = arith.constant 0 : index
    %swap3A_10 = vector.load %arg3[%swap3A, %swap3A_9] : memref<1024x2048xf32, #tpu.memory_space<vmem>>, vector<1024x2048xf32>
    tpu.vector_store %arg3[%swap3A, %swap3A_9], %select_n3A {strides = array<i32>} : memref<1024x2048xf32, #tpu.memory_space<vmem>>, vector<1024x2048xf32>,
    return
  }
  func.func @transform_0(%arg0: i32) -> (i32, i32, i32) {
    %c0_i32 = arith.constant 0 : i32
    %c0_i32_0 = arith.constant 0 : i32
    %c0_i32_1 = arith.constant 0 : i32
    return %arg0, %c0_i32, %c0_i32_0 : i32, i32, i32
  }
  func.func @transform_1(%arg0: i32) -> (i32, i32) {
    %c0_i32 = arith.constant 0 : i32
    %c0_i32_0 = arith.constant 0 : i32
    return %arg0, %c0_i32 : i32, i32
  }
  func.func @transform_2(%arg0: i32) -> (i32, i32) {
    %c0_i32 = arith.constant 0 : i32
    %c0_i32_0 = arith.constant 0 : i32
    return %arg0, %c0_i32 : i32, i32
  }
}

</mosaic_0001>

<sc_bundles>
// kernel: _probe.4.cloned.1.call-start
scs
__scs_entry_jumppad:
0x0: {  	(pc) =	sbr.rel $0x88, $3  }
0x1: {  	(tag) =	ssettag $0x0;
	lr =	simm.s32 $0x1  }
0x2: {  	[smem:$0x3F9F] =	sst lr;
	_ =	strace $0xD0000000  }
0x3: {  	_ = 	snop  }
0x4: {  	_ = 	snop  }
0x5: {  	_ = 	snop  }
0x6: {  	_ = 	snop  }
0x7: {  	_ = 	snop  }
__scs_overlays_trampoline_lowered:
0x8: {  	[smem:$0x3FAE] =	sst s0  }
0x9: {  	[smem:$0x3FAF] =	sst s1  }
0xa: {  	[smem:$0x3FB0] =	sst s2  }
0xb: {  	[smem:$0x3FB1] =	sst s3  }
0xc: {  	[smem:$0x3FB2] =	sst s4  }
0xd: {  	[smem:$0x3FB3] =	sst s5  }
0xe: {  	[smem:$0x3FB4] =	sst s6  }
0xf: {  	[smem:$0x3FB5] =	sst s7  }
0x10: {  	[smem:$0x3FB6] =	sst s8  }
0x11: {  	[smem:$0x3FB7] =	sst s9;
	s0 =	simm.s32 @!p0 $0x0  }
0x12: {  	s1 =	sld [smem:$0x3F9D];
	s0 =	simm.s32 @p0 $0x1  }
0x13: {  	[smem:$0x3FB8] =	sst s0;
	s0 =	simm.s32 @!p1 $0x0  }
0x14: {  	s2 =	sld [smem:$0x3F9C];
	s0 =	simm.s32 @p1 $0x1  }
0x15: {  	[smem:$0x3FB9] =	sst s0;
	s0 =	simm.s32 @!p2 $0x0  }
0x16: {  	s3 =	sld [smem:$0x3FDB];
	s0 =	simm.s32 @p2 $0x1  }
0x17: {  	s4 =	simm.s32 $0x1BF5;
	[smem:$0x3FBB] =	sst s0  }
0x18: {  	s0 =	sld [smem:$0x3F9E];
	_ =	swait.ge [sflag:s4], $0x0  }
0x19: {  	s7 =	sld [smem:$0x3F9F]  }
0x1a: {  	s8 =	sadd.s32 $0xFFFFE003, lr  }
0x1b: {  	s9 =	sadd.s32 $0xFFFFFEF7, lr;
	s5 =	simm.s32 $0xFFFFFFFF;
	p2 =	slt.u32 s8, $0xFFFFF086  }
0x1c: {  	p1 =	slt.u32 s9, $0xF7A;
	s5 =	simm.s32 @!p2 $0x0  }
0x1d: {  	s5 =	simm.s32 @p1 $0x1;
	p0 =	seq.s32 s7, s2  }
0x1e: {  	s7 =	smul.u32 @!p0 $0xF7A, s2;
	p2 =	seq.s32 @!p0 s5, $0x0  }
0x1f: {  	s9 =	smul.u32 $0xF7A, s1;
	s8 =	simm.s32 @!p0 $0x1BF5;
	p2 =	por !p2, p0  }
0x20: {  	[sflag:s8] =	ssyncset.s32 @!p0 $0xFFFFF086;
	s6 =	sadd.s32 @!p0 s3, s7;
	s7 =	simm.s32 @!p0 $0x108  }
0x21: {  	s3 =	sadd.s32 s3, s9;
	s6 =	sadd.s32 @!p0 $0x88, s6;
	s7 =	simm.s32 @p2 $0x1082  }
0x22: {  	[simem:s7], [sflag:s8] =	dma.local @!p0 [hbm:s6], $0xF7A  }
0x23: {  	s9 =	sor.u32 $0xD0000000, s2;
	s6 =	simm.s32 $0x108;
	_ =	swait.ge @!p0 [sflag:s8], $0x0  }
0x24: {  	s3 =	sadd.s32 $0x88, s3;
	s6 =	simm.s32 @!p1 $0x1082;
	[sflag:s4] =	ssyncset.s32 $0xFFFFF086  }
0x25: {  	[simem:s6], [sflag:s4] =	dma.local [hbm:s3], $0xF7A  }
0x26: {  	[smem:$0x3F9F] =	sst s1;
	(tag) =	ssettag s2;
	_ =	strace s9  }
0x27: {  	s1 =	sld [smem:$0x3FAF]  }
0x28: {  	s2 =	sld [smem:$0x3FB0]  }
0x29: {  	s4 =	sld [smem:$0x3FB2]  }
0x2a: {  	p0 =	seq.s32 s5, $0x0;
	s5 =	sld [smem:$0x3FB3]  }
0x2b: {  	s6 =	sld [smem:$0x3FB4]  }
0x2c: {  	s7 =	sld [smem:$0x3FB5]  }
0x2d: {  	s3 =	simm.s32 $0x108;
	s8 =	sld [smem:$0x3FB6]  }
0x2e: {  	s3 =	simm.s32 @!p0 $0x1082;
	s9 =	sld [smem:$0x3FB7]  }
0x2f: {  	lr =	sadd.s32 s0, s3;
	s0 =	sld [smem:$0x3FAE]  }
0x30: {  	s3 =	sld [smem:$0x3FB1]  }
0x31: {  	[smem:$0x3FBA] =	sst s10  }
0x32: {  	s10 =	sld [smem:$0x3FB8];
	_ =	sdelay $0x3  }
0x33: {  	p0 =	seq.s32 s10, $0x1;
	s10 =	sld [smem:$0x3FBA];
	_ =	sdelay $0x3  }
0x34: {  	[smem:$0x3FBA] =	sst s10  }
0x35: {  	s10 =	sld [smem:$0x3FB9];
	_ =	sdelay $0x3  }
0x36: {  	p1 =	seq.s32 s10, $0x1;
	s10 =	sld [smem:$0x3FBA];
	_ =	sdelay $0x3  }
0x37: {  	[smem:$0x3FBA] =	sst s10  }
0x38: {  	s10 =	sld [smem:$0x3FBB]  }
0x39: {  	_ = 	snop;
	(pc) =	sbr.ind lr, $3  }
0x3a: {  	_ = 	snop  }
0x3b: {  	_ = 	snop  }
0x3c: {  	p2 =	seq.s32 s10, $0x1;
	s10 =	sld [smem:$0x3FBA]  }
0x3d: {  	_ =	shalt  }
0x3e: {  	_ =	shalt  }
0x3f: {  	_ =	shalt  }
0x40: {  	_ =	shalt  }
0x41: {  	_ =	shalt  }
0x42: {  	_ =	shalt  }
0x43: {  	_ =	shalt  }
0x44: {  	_ =	shalt  }
0x45: {  	_ =	shalt  }
0x46: {  	_ =	shalt  }
0x47: {  	_ =	shalt  }
0x48: {  	_ =	shalt  }
0x49: {  	_ =	shalt  }
0x4a: {  	_ =	shalt  }
0x4b: {  	_ =	shalt  }
0x4c: {  	_ =	shalt  }
0x4d: {  	_ =	shalt  }
0x4e: {  	_ =	shalt  }
0x4f: {  	_ =	shalt  }
0x50: {  	_ =	shalt  }
0x51: {  	_ =	shalt  }
0x52: {  	_ =	shalt  }
0x53: {  	_ =	shalt  }
0x54: {  	_ =	shalt  }
0x55: {  	_ =	shalt  }
0x56: {  	_ =	shalt  }
0x57: {  	_ =	shalt  }
0x58: {  	_ =	shalt  }
0x59: {  	_ =	shalt  }
0x5a: {  	_ =	shalt  }
0x5b: {  	_ =	shalt  }
0x5c: {  	_ =	shalt  }
0x5d: {  	_ =	shalt  }
0x5e: {  	_ =	shalt  }
0x5f: {  	_ =	shalt  }
0x60: {  	_ =	shalt  }
0x61: {  	_ =	shalt  }
0x62: {  	_ =	shalt  }
0x63: {  	_ =	shalt  }
0x64: {  	_ =	shalt  }
0x65: {  	_ =	shalt  }
0x66: {  	_ =	shalt  }
0x67: {  	_ =	shalt  }
0x68: {  	_ =	shalt  }
0x69: {  	_ =	shalt  }
0x6a: {  	_ =	shalt  }
0x6b: {  	_ =	shalt  }
0x6c: {  	_ =	shalt  }
0x6d: {  	_ =	shalt  }
0x6e: {  	_ =	shalt  }
0x6f: {  	_ =	shalt  }
0x70: {  	_ =	shalt  }
0x71: {  	_ =	shalt  }
0x72: {  	_ =	shalt  }
0x73: {  	_ =	shalt  }
0x74: {  	_ =	shalt  }
0x75: {  	_ =	shalt  }
0x76: {  	_ =	shalt  }
0x77: {  	_ =	shalt  }
0x78: {  	_ =	shalt  }
0x79: {  	_ =	shalt  }
0x7a: {  	_ =	shalt  }
0x7b: {  	_ =	shalt  }
0x7c: {  	_ =	shalt  }
0x7d: {  	_ =	shalt  }
0x7e: {  	_ =	shalt  }
0x7f: {  	_ =	shalt  }
0x80: {  	_ =	shalt  }
0x81: {  	_ =	shalt  }
0x82: {  	_ =	shalt  }
0x83: {  	_ =	shalt  }
0x84: {  	_ =	shalt  }
0x85: {  	_ =	shalt  }
0x86: {  	_ =	shalt  }
0x87: {  	_ =	shalt  }
.Lfunc_end0:
.L_simem_size_0:
called_computation_lowered:
.L_overlay_start_0:
0x88: {  	s2 =	sld [smem:$0x3FD9]  }
0x89: {  	s3 =	sld [smem:$0x3FFE];
	_ =	sdelay $0x1  }
0x8a: {  	s1 =	srdreg.scid  }
0x8b: {  	s0 =	sand.u32 $0x1, s1  }
0x8c: {  	s15 =	sshll.u32 s0, $0xA;
	s2 =	sadd.s32 s3, s2  }
0x8d: {  	s2 =	sadd.s32 s2, s15  }
0x8e: {  	[smem:$0x3FC6] =	sst s2  }
0x8f: {  	_ = 	snop  }
0x90: {  	s2 =	sld [smem:$0x3FD0];
	_ =	sdelay $0x2  }
0x91: {  	s4 =	simm.s32 $0xA;
	s5 =	simm.s32 $0x10;
	s16 =	sld [smem:$0x3FC9]  }
0x92: {  	[smem:s5], [sflag:s4] =	dma.local [hbm:s2], $0x1  }
0x93: {  	_ =	swait.eq [sflag:s4], $0x1  }
0x94: {  	[sflag:s4] =	ssyncset.done $0x0  }
0x95: {  	[sflag:s4] =	ssyncadd.s32 $0xFFFFFFFF  }
0x96: {  	s17 =	sld [smem:$0x11];
	(tm) =	ssettm $0x1  }
0x97: {  	s18 =	sld [smem:$0x3FFB];
	_ =	sdelay $0x3  }
0x98: {  	_ =	strace s18  }
0x99: {  	s4 =	sld [smem:$0x3FFC];
	_ =	sdelay $0x3  }
0x9a: {  	_ =	strace s4  }
0x9b: {  	s4 =	sld [smem:$0x3FFD];
	_ =	sdelay $0x3  }
0x9c: {  	_ =	strace s4  }
0x9d: {  	_ =	strace $0x8FFFFFFF  }
0x9e: {  	s19 =	sld [smem:$0x3FDB];
	_ =	sdelay $0x1  }
0x9f: {  	s20 =	simm.s32 $_scs_section_size  }
0xa0: {  	s6 =	simm.s32 $_size__tile_overlayer_lowered;
	s7 =	simm.s32 $_tile_overlayer_lowered  }
0xa1: {  	s23 =	simm.s32 $0x1BFF;
	s22 =	sshll.u32 s7, $0x1;
	s4 =	sadd.s32 s20, s19  }
0xa2: {  	s8 =	simm.s32 $0x0;
	s21 =	sshll.u32 s6, $0x1;
	s6 =	sadd.s32 s22, s4  }
0xa3: {  	[timem:s8], [sflag:s23] =	dma.local [hbm:s6], s21  }
0xa4: {  	_ =	swait.ge [sflag:s23], s21  }
0xa5: {  	s5 =	ssub.s32 $0x0, s21;
	[sflag:s23] =	ssyncset.done $0x0  }
0xa6: {  	[sflag:s23] =	ssyncadd.s32 s5;
	_ =	sdelay $0x1  }
0xa7: {  	s24 =	simm.s32 $0x1B8B  }
0xa8: {  	_ =	swait.ge [sflag:s24], $0x1  }
0xa9: {  	[sflag:s24] =	ssyncset.done $0x0  }
0xaa: {  	s25 =	simm.s32 $0x1B8E;
	[sflag:s24] =	ssyncadd.s32 $0xFFFFFFFF  }
0xab: {  	s26 =	simm.s32 $execute0_lowered;
	[smem:$0x3FD2] =	sst s25  }
0xac: {  	s5 =	sshll.u32 s26, $0x1;
	_ =	strace $0x80000046;
	[dreg:$0x1] =	wrdreg $0xFFFFFFFF  }
0xad: {  	s28 =	simm.s32 $_size_execute0_lowered;
	s4 =	sadd.s32 s4, s5;
	[dreg:$0x0] =	wrdreg $0x0  }
0xae: {  	s5 =	sshll.u32 s28, $0x1;
	[dreg:$0x2] =	wrdreg s4  }
0xaf: {  	[dreg:$0x3] =	wrdreg s5  }
0xb0: {  	[dreg:$0x4] =	wrdreg $0xC0  }
0xb1: {  	_ =	task [dreg:s8], $0x5FFFF  }
0xb2: {  	[dreg:$0x1] =	wrdreg $0xFFFFFFFF  }
0xb3: {  	[dreg:$0x0] =	wrdreg $0x60  }
0xb4: {  	[dreg:$0x2] =	wrdreg s16  }
0xb5: {  	[dreg:$0x3] =	wrdreg s17  }
0xb6: {  	[dreg:$0x4] =	wrdreg $0x9  }
0xb7: {  	_ =	task.clear_ibuf [dreg:s8], $0x5FFFF;
	_ =	strace $0x90000046  }
0xb8: {  	s29 =	simm.s32 $0x9;
	_ =	strace $0x80000048  }
0xb9: {  	_ =	swait.ge [sflag:s29], $0x1  }
0xba: {  	[sflag:s29] =	ssyncadd.s32 $0xFFFFFFFF  }
0xbb: {  	_ =	strace $0x90000048  }
0xbc: {  	_ =	sfence  }
0xbd: {  	s30 =	sld [smem:$0x0];
	_ =	sdelay $0x2  }
0xbe: {  	s31 =	sshll.u32 s1, $0xD;
	s1 =	sshrl.u32 s1, $0x2  }
0xbf: {  	s3 =	sand.u32 $0x4000, s31;
	s1 =	sadd.s32 s1, s30  }
0xc0: {  	s0 =	sor.u32 s3, s0;
	s1 =	sshll.u32 s1, $0x11  }
0xc1: {  	s0 =	sor.u32 s1, s0  }
0xc2: {  	s0 =	sadd.s32 $0x8F2B, s0  }
0xc3: {  	[sflag:s0] =	ssyncadd.remote.s32 $0x1  }
0xc4: {  	_ =	sfence.sel $0xFFFF  }
0xc5: {  	[dreg:$0x0] =	wrdreg $0xFFFFFFFF;
	(pc) =	sbr.abs _section_cstart, $3  }
0xc6: {  	[dreg:$0x1] =	wrdreg $0xFFFFFFFF  }
0xc7: {  	_ =	task.clear_ibuf [dreg:s8], $0x2FFFF;
	_ =	strace $0x9FFFFFFF  }
0xc8: {  	(tm) =	ssettm $0x7FFFFFFF  }
0xc9: {  	_ =	shalt  }
tec
execute0_lowered:
.L_overlay_start_1:
0x0: {  	(tag) =	ssettag $0x1  }
0x1: {  	s1 =	srdreg.scid;
	s0 =	stileid.u32  }
0x2: {  	s19 =	sand.u32 $0x1, s1;
	s31 =	sshll.u32 s0, $0x1  }
0x3: {  	s1 =	sor.u32 s19, s31  }
0x4: {  	s4 =	rddreg [dreg:$0x0];
	s3 =	smul.u32 $0x6000, s1  }
0x5: {  	s7 =	rddreg [dreg:$0x1];
	s2 =	simm.s32 $0x0;
	s5 =	smul.u32 $0x30000, s1  }
0x6: {  	[smem:$0x7FF] =	sst s2  }
0x7: {  	s1 =	rddreg [dreg:$0x2];
	s17 =	sadd.s32 s4, s3;
	s8 =	sshrl.u32 s5, $0x3  }
0x8: {  	_ =	strace $0x80000047;
	s3 =	sadd.s32 $0x140000, s17;
	s4 =	sadd.s32 s4, s8  }
0x9: {  	[tilespmem:s2], [sflag:$0x1] =	stream.linear.gather [hbm4b:s3+s2], $0x8000, $0x38;
	[tilespmem:$0x10000] =	vst v63  }
0xa: {  	s6 =	simm.s32 $0x1;
	s5 =	simm.s32 $0x8000;
	s4 =	sadd.s32 $0x141000, s4  }
0xb: {  	[tilespmem:s5], [sflag:$0x2] =	stream.linear.gather [hbm4b:s4+s2], $0x8000, $0x38;
	[tilespmem:$0x10000] =	vst v63  }
0xc: {  	_ =	swait.ge [sflag:s6], $0x8000  }
0xd: {  	[sflag:s6] =	ssyncset.done $0x0  }
0xe: {  	s7 =	sadd.s32 s7, s8;
	s8 =	simm.s32 $0x3;
	[sflag:s6] =	ssyncadd.s32 $0xFFFF8000  }
0xf: {  	[hbm4b:s7+s2] =	stream.linear.scatter [tilespmem:s2], [sflag:$0x3], $0x8000, $0x38;
	[tilespmem:$0x10000] =	vst v63  }
0x10: {  	_ =	swait.ge [sflag:s8], $0x8000  }
0x11: {  	[sflag:s8] =	ssyncset.done $0x0  }
0x12: {  	s10 =	simm.s32 $0x2;
	s9 =	sadd.s32 $0x142000, s17;
	[sflag:s8] =	ssyncadd.s32 $0xFFFF8000  }
0x13: {  	[tilespmem:s2], [sflag:$0x1] =	stream.linear.gather [hbm4b:s9+s2], $0x8000, $0x38;
	[tilespmem:$0x10000] =	vst v63  }
0x14: {  	_ =	swait.ge [sflag:s10], $0x8000  }
0x15: {  	[sflag:s10] =	ssyncset.done $0x0  }
0x16: {  	s11 =	simm.s32 $0x4;
	s12 =	sadd.s32 $0x1000, s7;
	[sflag:s10] =	ssyncadd.s32 $0xFFFF8000  }
0x17: {  	[hbm4b:s12+s2] =	stream.linear.scatter [tilespmem:s5], [sflag:$0x4], $0x8000, $0x38;
	[tilespmem:$0x10000] =	vst v63  }
0x18: {  	_ =	swait.ge [sflag:s11], $0x8000  }
0x19: {  	[sflag:s11] =	ssyncset.done $0x0  }
0x1a: {  	s13 =	sadd.s32 $0x143000, s17;
	[sflag:s11] =	ssyncadd.s32 $0xFFFF8000  }
0x1b: {  	[tilespmem:s5], [sflag:$0x2] =	stream.linear.gather [hbm4b:s13+s2], $0x8000, $0x38;
	[tilespmem:$0x10000] =	vst v63  }
0x1c: {  	_ =	swait.ge [sflag:s6], $0x8000  }
0x1d: {  	[sflag:s6] =	ssyncset.done $0x0  }
0x1e: {  	s14 =	sadd.s32 $0x2000, s7;
	[sflag:s6] =	ssyncadd.s32 $0xFFFF8000  }
0x1f: {  	[hbm4b:s14+s2] =	stream.linear.scatter [tilespmem:s2], [sflag:$0x3], $0x8000, $0x38;
	[tilespmem:$0x10000] =	vst v63  }
0x20: {  	_ =	swait.ge [sflag:s8], $0x8000  }
0x21: {  	[sflag:s8] =	ssyncset.done $0x0  }
0x22: {  	s15 =	sadd.s32 $0x144000, s17;
	[sflag:s8] =	ssyncadd.s32 $0xFFFF8000  }
0x23: {  	[tilespmem:s2], [sflag:$0x1] =	stream.linear.gather [hbm4b:s15+s2], $0x8000, $0x38;
	[tilespmem:$0x10000] =	vst v63  }
0x24: {  	_ =	swait.ge [sflag:s10], $0x8000  }
0x25: {  	[sflag:s10] =	ssyncset.done $0x0  }
0x26: {  	s16 =	sadd.s32 $0x3000, s7;
	[sflag:s10] =	ssyncadd.s32 $0xFFFF8000  }
0x27: {  	[hbm4b:s16+s2] =	stream.linear.scatter [tilespmem:s5], [sflag:$0x4], $0x8000, $0x38;
	[tilespmem:$0x10000] =	vst v63  }
0x28: {  	_ =	swait.ge [sflag:s11], $0x8000  }
0x29: {  	[sflag:s11] =	ssyncset.done $0x0  }
0x2a: {  	s17 =	sadd.s32 $0x145000, s17;
	[sflag:s11] =	ssyncadd.s32 $0xFFFF8000  }
0x2b: {  	[tilespmem:s5], [sflag:$0x2] =	stream.linear.gather [hbm4b:s17+s2], $0x8000, $0x38;
	[tilespmem:$0x10000] =	vst v63  }
0x2c: {  	_ =	swait.ge [sflag:s6], $0x8000  }
0x2d: {  	s20 =	ssub.s32 $0x2, s19;
	[sflag:s6] =	ssyncset.done $0x0  }
0x2e: {  	s21 =	sshrl.u32 s20, $0x1;
	s18 =	sadd.s32 $0x4000, s7;
	[sflag:s6] =	ssyncadd.s32 $0xFFFF8000  }
0x2f: {  	[hbm4b:s18+s2] =	stream.linear.scatter [tilespmem:s2], [sflag:$0x3], $0x8000, $0x38;
	[tilespmem:$0x10000] =	vst v63  }
0x30: {  	s20 =	ssub.s32 s20, s21;
	_ =	swait.ge [sflag:s10], $0x8000  }
0x31: {  	s20 =	smax.u32 s20, $0x1;
	[sflag:s10] =	ssyncset.done $0x0  }
0x32: {  	p0 =	sne.s32 s20, $0x1;
	s19 =	sadd.s32 $0x5000, s7;
	[sflag:s10] =	ssyncadd.s32 $0xFFFF8000  }
0x33: {  	[hbm4b:s19+s2] =	stream.linear.scatter [tilespmem:s5], [sflag:$0x4], $0x8000, $0x38;
	[tilespmem:$0x10000] =	vst v63  }
.Ltmp0:
0x34: {  	_ =	swait.ge [sflag:s8], $0x8000;
	(pc) =	sbr.rel @!p0 .LBB2_2-.Ltmp0, $4  }
0x35: {  	[sflag:s8] =	ssyncset.done $0x0  }
0x36: {  	[sflag:s8] =	ssyncadd.s32 $0xFFFF8000  }
0x37: {  	_ =	swait.ge [sflag:s11], $0x8000  }
0x38: {  	s20 =	sadd.s32 $0xFFFFFFFF, s20;
	[sflag:s11] =	ssyncset.done $0x0  }
.LBB2_1:
0x39: {  	p0 =	sne.s32 s20, $0x1;
	s20 =	sadd.s32 $0xFFFFFFFF, s20;
	[sflag:s11] =	ssyncadd.s32 $0xFFFF8000  }
0x3a: {  	[tilespmem:s2], [sflag:$0x1] =	stream.linear.gather [hbm4b:s3+s2], $0x8000, $0x38;
	[tilespmem:$0x10000] =	vst v63  }
0x3b: {  	_ = 	snop  }
0x3c: {  	[tilespmem:s5], [sflag:$0x2] =	stream.linear.gather [hbm4b:s4+s2], $0x8000, $0x38;
	[tilespmem:$0x10000] =	vst v63  }
0x3d: {  	_ =	swait.ge [sflag:s6], $0x8000  }
0x3e: {  	[sflag:s6] =	ssyncset.done $0x0  }
0x3f: {  	[sflag:s6] =	ssyncadd.s32 $0xFFFF8000  }
0x40: {  	[hbm4b:s7+s2] =	stream.linear.scatter [tilespmem:s2], [sflag:$0x3], $0x8000, $0x38;
	[tilespmem:$0x10000] =	vst v63  }
0x41: {  	_ =	swait.ge [sflag:s8], $0x8000  }
0x42: {  	[sflag:s8] =	ssyncset.done $0x0  }
0x43: {  	[sflag:s8] =	ssyncadd.s32 $0xFFFF8000  }
0x44: {  	[tilespmem:s2], [sflag:$0x1] =	stream.linear.gather [hbm4b:s9+s2], $0x8000, $0x38;
	[tilespmem:$0x10000] =	vst v63  }
0x45: {  	_ =	swait.ge [sflag:s10], $0x8000  }
0x46: {  	[sflag:s10] =	ssyncset.done $0x0  }
0x47: {  	[sflag:s10] =	ssyncadd.s32 $0xFFFF8000  }
0x48: {  	[hbm4b:s12+s2] =	stream.linear.scatter [tilespmem:s5], [sflag:$0x4], $0x8000, $0x38;
	[tilespmem:$0x10000] =	vst v63  }
0x49: {  	_ =	swait.ge [sflag:s11], $0x8000  }
0x4a: {  	[sflag:s11] =	ssyncset.done $0x0  }
0x4b: {  	[sflag:s11] =	ssyncadd.s32 $0xFFFF8000  }
0x4c: {  	[tilespmem:s5], [sflag:$0x2] =	stream.linear.gather [hbm4b:s13+s2], $0x8000, $0x38;
	[tilespmem:$0x10000] =	vst v63  }
0x4d: {  	_ =	swait.ge [sflag:s6], $0x8000  }
0x4e: {  	[sflag:s6] =	ssyncset.done $0x0  }
0x4f: {  	[sflag:s6] =	ssyncadd.s32 $0xFFFF8000  }
0x50: {  	[hbm4b:s14+s2] =	stream.linear.scatter [tilespmem:s2], [sflag:$0x3], $0x8000, $0x38;
	[tilespmem:$0x10000] =	vst v63  }
0x51: {  	_ =	swait.ge [sflag:s8], $0x8000  }
0x52: {  	[sflag:s8] =	ssyncset.done $0x0  }
0x53: {  	[sflag:s8] =	ssyncadd.s32 $0xFFFF8000  }
0x54: {  	[tilespmem:s2], [sflag:$0x1] =	stream.linear.gather [hbm4b:s15+s2], $0x8000, $0x38;
	[tilespmem:$0x10000] =	vst v63  }
0x55: {  	_ =	swait.ge [sflag:s10], $0x8000  }
0x56: {  	[sflag:s10] =	ssyncset.done $0x0  }
0x57: {  	[sflag:s10] =	ssyncadd.s32 $0xFFFF8000  }
0x58: {  	[hbm4b:s16+s2] =	stream.linear.scatter [tilespmem:s5], [sflag:$0x4], $0x8000, $0x38;
	[tilespmem:$0x10000] =	vst v63  }
0x59: {  	_ =	swait.ge [sflag:s11], $0x8000  }
0x5a: {  	[sflag:s11] =	ssyncset.done $0x0  }
0x5b: {  	[sflag:s11] =	ssyncadd.s32 $0xFFFF8000  }
0x5c: {  	[tilespmem:s5], [sflag:$0x2] =	stream.linear.gather [hbm4b:s17+s2], $0x8000, $0x38;
	[tilespmem:$0x10000] =	vst v63  }
0x5d: {  	_ =	swait.ge [sflag:s6], $0x8000  }
0x5e: {  	[sflag:s6] =	ssyncset.done $0x0  }
0x5f: {  	[sflag:s6] =	ssyncadd.s32 $0xFFFF8000  }
0x60: {  	[hbm4b:s18+s2] =	stream.linear.scatter [tilespmem:s2], [sflag:$0x3], $0x8000, $0x38;
	[tilespmem:$0x10000] =	vst v63  }
0x61: {  	_ =	swait.ge [sflag:s10], $0x8000  }
0x62: {  	[sflag:s10] =	ssyncset.done $0x0  }
0x63: {  	[sflag:s10] =	ssyncadd.s32 $0xFFFF8000  }
0x64: {  	[hbm4b:s19+s2] =	stream.linear.scatter [tilespmem:s5], [sflag:$0x4], $0x8000, $0x38;
	[tilespmem:$0x10000] =	vst v63  }
.Ltmp1:
0x65: {  	_ =	swait.ge [sflag:s8], $0x8000;
	(pc) =	sbr.rel @p0 .LBB2_1-.Ltmp1, $4  }
0x66: {  	[sflag:s8] =	ssyncset.done $0x0  }
0x67: {  	[sflag:s8] =	ssyncadd.s32 $0xFFFF8000  }
0x68: {  	_ =	swait.ge [sflag:s11], $0x8000  }
0x69: {  	[sflag:s11] =	ssyncset.done $0x0  }
.LBB2_2:
0x6a: {  	[sflag:s11] =	ssyncadd.s32 $0xFFFF8000  }
0x6b: {  	_ =	sfence.sel $0x180000  }
0x6c: {  	[bflag:$0x0] =	sbarrier.arrive $0xFFFF  }
0x6d: {  	p0 =	sne.s32 s0, $0x0;
	_ =	strace $0x90000047  }
0x6e: {  	s0 =	sadd.s32 @!p0 $0x100000, s1;
	[bflag:$0x2] =	sbarrier.arrive $0xFFFF  }
0x6f: {  	[sflag:s0] =	ssyncadd.tile.s32 @!p0 $0x1;
	_ =	shalt  }
.Lfunc_end2:
_tile_overlayer_lowered:
.L_overlay_start_2:
0x70: {  	(tag) =	ssettag $0x2  }
0x71: {  	s0 =	rddreg [dreg:$0x0];
	s2 =	stileid.u32  }
0x72: {  	s1 =	rddreg [dreg:$0x1];
	p0 =	sne.s32 s2, $0x0  }
0x73: {  	s3 =	rddreg [dreg:$0x2];
	[bflag:$0x3] =	sbarrier.arrive $0xFFFF;
	s2 =	simm.s32 @!p0 $0x1C05  }
0x74: {  	[timem:s3], [sflag:s2] =	dma.local @!p0 [hbm:s0], s1  }
0x75: {  	s0 =	simm.s32 @!p0 $0x5  }
0x76: {  	_ =	swait.ge @!p0 [sflag:s0], s1  }
0x77: {  	s1 =	ssub.s32 @!p0 $0x0, s1;
	[sflag:s0] =	ssyncset.done @!p0 $0x0  }
0x78: {  	[sflag:s0] =	ssyncadd.s32 @!p0 s1  }
0x79: {  	[bflag:$0x3] =	sbarrier.arrive $0xFFFF  }
0x7a: {  	_ =	shalt  }

</sc_bundles>
